<compile_context>
chip_gen: v7x
topology: tpu7x:2x2x1
jax: 0.10.2.dev20260603
libtpu: 0.0.44.dev20260713+nightly
codegen_flags: <defaults>
</compile_context>

<pallas_src>
import functools

import jax
import jax.numpy as jnp
from jax import lax
from jax.experimental import pallas as pl
from jax.experimental.pallas import tpu as pltpu
from jax.experimental.pallas import tpu_sc as plsc

N_NODES = 100000
ATOM_DIM = 32
CHARGE_DIM = 16
OUT_DIM = ATOM_DIM + CHARGE_DIM
LANE = 128

NUM_CORES = 2
NUM_SUBCORES = 16
NW = NUM_CORES * NUM_SUBCORES

BPW = 3200
LAST_BASE = N_NODES - BPW
CHUNK = 400
NCHUNK = BPW // CHUNK

_mesh = plsc.VectorSubcoreMesh(core_axis_name="c", subcore_axis_name="s")


@functools.partial(
    pl.kernel,
    mesh=_mesh,
    compiler_params=pltpu.CompilerParams(use_tc_tiling_on_sc=False),
    out_type=jax.ShapeDtypeStruct((N_NODES // 8, 8, LANE), jnp.float32),
    scratch_types=[
        pltpu.VMEM((BPW,), jnp.int32),
        pltpu.VMEM((BPW,), jnp.int32),
        pltpu.VMEM((CHUNK, ATOM_DIM), jnp.float32),
        pltpu.VMEM((CHUNK, CHARGE_DIM), jnp.float32),
        pltpu.VMEM((CHUNK // 8, 8, LANE), jnp.float32),
        pltpu.SemaphoreType.DMA,
        pltpu.SemaphoreType.DMA,
    ],
)
def _sc_embed(aidx_hbm, cidx_hbm, atable_hbm, ctable_hbm, out_hbm,
              aidx_v, cidx_v, arows_v, crows_v, comb_v, sem_a, sem_c):
    wid = lax.axis_index("s") * NUM_CORES + lax.axis_index("c")
    base = jnp.minimum(wid * BPW, LAST_BASE)
    pltpu.sync_copy(aidx_hbm.at[pl.ds(base, BPW)], aidx_v)
    pltpu.sync_copy(cidx_hbm.at[pl.ds(base, BPW)], cidx_v)

    def body(j, carry):
        off = j * CHUNK
        cp_a = pltpu.async_copy(
            atable_hbm.at[aidx_v.at[pl.ds(off, CHUNK)]], arows_v, sem_a)
        cp_c = pltpu.async_copy(
            ctable_hbm.at[cidx_v.at[pl.ds(off, CHUNK)]], crows_v, sem_c)
        cp_a.wait()
        cp_c.wait()

        def merge(g, c2):
            for s in range(8):
                r = g * 8 + s
                comb_v[g, s, pl.ds(0, 16)] = arows_v[r, pl.ds(0, 16)]
                comb_v[g, s, pl.ds(16, 16)] = arows_v[r, pl.ds(16, 16)]
                comb_v[g, s, pl.ds(32, 16)] = crows_v[r, pl.ds(0, 16)]
            return c2

        lax.fori_loop(0, CHUNK // 8, merge, 0)
        pltpu.sync_copy(comb_v, out_hbm.at[pl.ds((base + off) // 8, CHUNK // 8)])
        return carry

    lax.fori_loop(0, NCHUNK, body, 0)


def kernel(atom_types, charge, atom_types_table, charge_table):
    aidx = atom_types.reshape(-1).astype(jnp.int32)
    cidx = charge.reshape(-1).astype(jnp.int32)
    out3 = _sc_embed(aidx, cidx, atom_types_table, charge_table)
    return out3.reshape(N_NODES, LANE)[:, :OUT_DIM]

# --- scband reference (transcript-rebuilt; emitter-appended) ---
"""Pipeline reference for scband-embedding-node-attrs-11493332484721 (READ-ONLY COPY).

The authoritative reference and input builder live on the scoring server;
editing this copy changes nothing except your own understanding.
"""

import jax, jax.numpy as jnp
import numpy as np

N_NODES = 100000
ATOM_VOCAB = 1000000  # num_types=999999 -> Embedding(999999+1, 32)
ATOM_DIM = 32
CHARGE_VOCAB = 100    # num_types=99 -> Embedding(99+1, 16)
CHARGE_DIM = 16


def setup_inputs(seed: int = 0) -> dict:
    key = jax.random.key(seed)
    k1, k2, k3, k4 = jax.random.split(key, 4)
    atom_types = jax.random.randint(k1, (N_NODES,), 0, ATOM_VOCAB)
    charge = jax.random.randint(k2, (N_NODES,), 0, CHARGE_VOCAB)
    # learned embedding tables (torch.nn.Embedding weights, init normal with std=isqrt(dim))
    atom_types_table = jax.random.normal(k3, (ATOM_VOCAB, ATOM_DIM), dtype=jnp.float32) * float(int(np.sqrt(ATOM_DIM)))
    charge_table = jax.random.normal(k4, (CHARGE_VOCAB, CHARGE_DIM), dtype=jnp.float32) * float(int(np.sqrt(CHARGE_DIM)))
    return {
        "atom_types": atom_types,
        "charge": charge,
        "atom_types_table": atom_types_table,
        "charge_table": charge_table,
    }


def reference(atom_types, charge, atom_types_table, charge_table):
    # For each attribute: squeeze indices, embedding lookup, then concat along last dim.
    e_atom = jnp.take(atom_types_table, atom_types.squeeze(), axis=0)
    e_charge = jnp.take(charge_table, charge.squeeze(), axis=0)
    node_attrs = jnp.concatenate([e_atom, e_charge], axis=-1)
    return node_attrs

if __name__ == "__main__":
    import jax
    _d = setup_inputs()
    print(jax.jit(kernel)(*tuple(_d.values())))

</pallas_src>

<mosaic_0001>
#map = affine_map<(d0, d1) -> (0)>
#map1 = affine_map<(d0, d1) -> (0, 0)>
#map2 = affine_map<(d0, d1) -> (0, 0, 0)>
module attributes {stable_mosaic.version = 14 : i64} {
  func.func @_sc_embed(%arg0: i32, %arg1: i32, %arg2: memref<100000xi32, #tpu.memory_space<hbm>>, %arg3: memref<100000xi32, #tpu.memory_space<hbm>>, %arg4: memref<1000000x32xf32, #tpu.memory_space<hbm>>, %arg5: memref<100x16xf32, #tpu.memory_space<hbm>>, %arg6: memref<12500x8x128xf32, #tpu.memory_space<hbm>>, %arg7: memref<3200xi32, #tpu.memory_space<vmem>>, %arg8: memref<3200xi32, #tpu.memory_space<vmem>>, %arg9: memref<400x32xf32, #tpu.memory_space<vmem>>, %arg10: memref<400x16xf32, #tpu.memory_space<vmem>>, %arg11: memref<50x8x128xf32, #tpu.memory_space<vmem>>, %arg12: memref<!tpu.dma_semaphore, #tpu.memory_space<semaphore_mem>>, %arg13: memref<!tpu.dma_semaphore, #tpu.memory_space<semaphore_mem>>) attributes {dimension_semantics = [#tpu.dimension_semantics<core_parallel>, #tpu.dimension_semantics<subcore_parallel>], iteration_bounds = array<i64: 2, 16>, scalar_prefetch = 0 : i64, scratch_operands = 7 : i64, tpu.core_type = #tpu.core_type<sc_vector_subcore>, window_params = [{transform_indices = #map}, {transform_indices = #map}, {transform_indices = #map1}, {transform_indices = #map1}, {transform_indices = #map2}]} {
    %mul3A = arith.constant 2 : i32
    %mul3A_0 = arith.muli %arg1, %mul3A : i32
    %add3A = arith.addi %mul3A_0, %arg0 : i32
    %mul3A_1 = arith.constant 3200 : i32
    %mul3A_2 = arith.muli %add3A, %mul3A_1 : i32
    %min3A = arith.constant 96800 : i32
    %min3A_3 = arith.minsi %mul3A_2, %min3A : i32
    "tpu.region"() ({
      %run_scoped3A = tpu.sem_alloc : memref<!tpu.dma_semaphore, #tpu.memory_space<semaphore_mem>>
      %dma_start3A = tpu.memref_slice %arg2[%min3A_3] : memref<100000xi32, #tpu.memory_space<hbm>> -> memref<3200xi32, #tpu.memory_space<hbm>>
      %dma_start3A_9 = tpu.memref_slice %arg2[%min3A_3] : memref<100000xi32, #tpu.memory_space<hbm>> -> memref<3200xi32, #tpu.memory_space<hbm>>
      tpu.enqueue_dma source(%dma_start3A_9 : memref<3200xi32, #tpu.memory_space<hbm>>) target(%arg7 : memref<3200xi32, #tpu.memory_space<vmem>>) target_semaphore(%run_scoped3A : memref<!tpu.dma_semaphore, #tpu.memory_space<semaphore_mem>>)
      %dma_wait3A = tpu.memref_slice %arg2[%min3A_3] : memref<100000xi32, #tpu.memory_space<hbm>> -> memref<3200xi32, #tpu.memory_space<hbm>>
      %dma_wait3A_10 = tpu.memref_slice %arg2[%min3A_3] : memref<100000xi32, #tpu.memory_space<hbm>> -> memref<3200xi32, #tpu.memory_space<hbm>>
      tpu.wait_dma2 semaphore(%run_scoped3A : memref<!tpu.dma_semaphore, #tpu.memory_space<semaphore_mem>>) src(%dma_wait3A_10 : memref<3200xi32, #tpu.memory_space<hbm>>) dst(%arg7 : memref<3200xi32, #tpu.memory_space<vmem>>)
      tpu.yield
    }) : () -> ()
    "tpu.region"() ({
      %run_scoped3A = tpu.sem_alloc : memref<!tpu.dma_semaphore, #tpu.memory_space<semaphore_mem>>
      %dma_start3A = tpu.memref_slice %arg3[%min3A_3] : memref<100000xi32, #tpu.memory_space<hbm>> -> memref<3200xi32, #tpu.memory_space<hbm>>
      %dma_start3A_9 = tpu.memref_slice %arg3[%min3A_3] : memref<100000xi32, #tpu.memory_space<hbm>> -> memref<3200xi32, #tpu.memory_space<hbm>>
      tpu.enqueue_dma source(%dma_start3A_9 : memref<3200xi32, #tpu.memory_space<hbm>>) target(%arg8 : memref<3200xi32, #tpu.memory_space<vmem>>) target_semaphore(%run_scoped3A : memref<!tpu.dma_semaphore, #tpu.memory_space<semaphore_mem>>)
      %dma_wait3A = tpu.memref_slice %arg3[%min3A_3] : memref<100000xi32, #tpu.memory_space<hbm>> -> memref<3200xi32, #tpu.memory_space<hbm>>
      %dma_wait3A_10 = tpu.memref_slice %arg3[%min3A_3] : memref<100000xi32, #tpu.memory_space<hbm>> -> memref<3200xi32, #tpu.memory_space<hbm>>
      tpu.wait_dma2 semaphore(%run_scoped3A : memref<!tpu.dma_semaphore, #tpu.memory_space<semaphore_mem>>) src(%dma_wait3A_10 : memref<3200xi32, #tpu.memory_space<hbm>>) dst(%arg8 : memref<3200xi32, #tpu.memory_space<vmem>>)
      tpu.yield
    }) : () -> ()
    %scan3A = arith.constant 0 : i32
    %scan3A_4 = arith.constant 0 : i32
    %scan3A_5 = arith.constant 8 : i32
    %scan3A_6 = arith.addi %scan3A_4, %scan3A_5 : i32
    %scan3A_7 = arith.constant 1 : i32
    scf.for %scan3A_9 = %scan3A_4 to %scan3A_6 step %scan3A_7  : i32 {
      %mul3A_10 = arith.constant 400 : i32
      %mul3A_11 = arith.muli %scan3A_9, %mul3A_10 : i32
      %dma_start3A = tpu.memref_slice %arg7[%mul3A_11] : memref<3200xi32, #tpu.memory_space<vmem>> -> memref<400xi32, #tpu.memory_space<vmem>>
      %dma_start3A_12 = arith.constant 0 : i32
      %dma_start3A_13 = arith.constant 0 : i32
      %dma_start3A_14 = tpu.memref_slice %arg4[%dma_start3A_12, %dma_start3A_13] : memref<1000000x32xf32, #tpu.memory_space<hbm>> -> memref<1000000x32xf32, #tpu.memory_space<hbm>>
      tpu.enqueue_indirect_dma source(%dma_start3A_14 : memref<1000000x32xf32, #tpu.memory_space<hbm>>) target(%arg9 : memref<400x32xf32, #tpu.memory_space<vmem>>) offsets(%dma_start3A : memref<400xi32, #tpu.memory_space<vmem>>) semaphore(%arg12 : memref<!tpu.dma_semaphore, #tpu.memory_space<semaphore_mem>>)
      %dma_start3A_15 = tpu.memref_slice %arg8[%mul3A_11] : memref<3200xi32, #tpu.memory_space<vmem>> -> memref<400xi32, #tpu.memory_space<vmem>>
      %dma_start3A_16 = arith.constant 0 : i32
      %dma_start3A_17 = arith.constant 0 : i32
      %dma_start3A_18 = tpu.memref_slice %arg5[%dma_start3A_16, %dma_start3A_17] : memref<100x16xf32, #tpu.memory_space<hbm>> -> memref<100x16xf32, #tpu.memory_space<hbm>>
      tpu.enqueue_indirect_dma source(%dma_start3A_18 : memref<100x16xf32, #tpu.memory_space<hbm>>) target(%arg10 : memref<400x16xf32, #tpu.memory_space<vmem>>) offsets(%dma_start3A_15 : memref<400xi32, #tpu.memory_space<vmem>>) semaphore(%arg13 : memref<!tpu.dma_semaphore, #tpu.memory_space<semaphore_mem>>)
      %dma_wait3A = tpu.memref_slice %arg7[%mul3A_11] : memref<3200xi32, #tpu.memory_space<vmem>> -> memref<400xi32, #tpu.memory_space<vmem>>
      %dma_wait3A_19 = arith.constant 0 : i32
      %dma_wait3A_20 = arith.constant 0 : i32
      %dma_wait3A_21 = tpu.memref_slice %arg4[%dma_wait3A_19, %dma_wait3A_20] : memref<1000000x32xf32, #tpu.memory_space<hbm>> -> memref<1000000x32xf32, #tpu.memory_space<hbm>>
      tpu.wait_indirect_dma semaphore(%arg12 : memref<!tpu.dma_semaphore, #tpu.memory_space<semaphore_mem>>) src(%dma_wait3A_21 : memref<1000000x32xf32, #tpu.memory_space<hbm>>) dst(%arg9 : memref<400x32xf32, #tpu.memory_space<vmem>>)
      %dma_wait3A_22 = tpu.memref_slice %arg8[%mul3A_11] : memref<3200xi32, #tpu.memory_space<vmem>> -> memref<400xi32, #tpu.memory_space<vmem>>
      %dma_wait3A_23 = arith.constant 0 : i32
      %dma_wait3A_24 = arith.constant 0 : i32
      %dma_wait3A_25 = tpu.memref_slice %arg5[%dma_wait3A_23, %dma_wait3A_24] : memref<100x16xf32, #tpu.memory_space<hbm>> -> memref<100x16xf32, #tpu.memory_space<hbm>>
      tpu.wait_indirect_dma semaphore(%arg13 : memref<!tpu.dma_semaphore, #tpu.memory_space<semaphore_mem>>) src(%dma_wait3A_25 : memref<100x16xf32, #tpu.memory_space<hbm>>) dst(%arg10 : memref<400x16xf32, #tpu.memory_space<vmem>>)
      %scan3A_26 = arith.constant 0 : i32
      %scan3A_27 = arith.constant 0 : i32
      %scan3A_28 = arith.constant 50 : i32
      %scan3A_29 = arith.addi %scan3A_27, %scan3A_28 : i32
      %scan3A_30 = arith.constant 1 : i32
      scf.for %scan3A_49 = %scan3A_27 to %scan3A_29 step %scan3A_30  : i32 {
        %mul3A_50 = arith.constant 8 : i32
        %mul3A_51 = arith.muli %scan3A_49, %mul3A_50 : i32
        %add3A_52 = arith.constant 0 : i32
        %add3A_53 = arith.addi %mul3A_51, %add3A_52 : i32
        %get3A = arith.index_cast %add3A_53 : i32 to index
        %get3A_54 = arith.constant 0 : index
        %get3A_55 = tpu.vector_load %arg9[%get3A, %get3A_54] {strides = array<i32>} : memref<400x32xf32, #tpu.memory_space<vmem>>, vector<1x16xf32>,
        %get3A_56 = vector.shape_cast %get3A_55 : vector<1x16xf32> to vector<16xf32>
        %swap3A = arith.constant 0 : i32
        %swap3A_57 = arith.index_cast %scan3A_49 : i32 to index
        %swap3A_58 = arith.index_cast %swap3A : i32 to index
        %swap3A_59 = arith.constant 0 : index
        %swap3A_60 = tpu.vector_load %arg11[%swap3A_57, %swap3A_58, %swap3A_59] {strides = array<i32>} : memref<50x8x128xf32, #tpu.memory_space<vmem>>, vector<1x1x16xf32>,
        %swap3A_61 = vector.shape_cast %swap3A_60 : vector<1x1x16xf32> to vector<16xf32>
        %swap3A_62 = vector.shape_cast %get3A_56 : vector<16xf32> to vector<1x1x16xf32>
        tpu.vector_store %arg11[%swap3A_57, %swap3A_58, %swap3A_59], %swap3A_62 {strides = array<i32>} : memref<50x8x128xf32, #tpu.memory_space<vmem>>, vector<1x1x16xf32>,
        %get3A_63 = arith.index_cast %add3A_53 : i32 to index
        %get3A_64 = arith.constant 16 : index
        %get3A_65 = tpu.vector_load %arg9[%get3A_63, %get3A_64] {strides = array<i32>} : memref<400x32xf32, #tpu.memory_space<vmem>>, vector<1x16xf32>,
        %get3A_66 = vector.shape_cast %get3A_65 : vector<1x16xf32> to vector<16xf32>
        %swap3A_67 = arith.constant 0 : i32
        %swap3A_68 = arith.index_cast %scan3A_49 : i32 to index
        %swap3A_69 = arith.index_cast %swap3A_67 : i32 to index
        %swap3A_70 = arith.constant 16 : index
        %swap3A_71 = tpu.vector_load %arg11[%swap3A_68, %swap3A_69, %swap3A_70] {strides = array<i32>} : memref<50x8x128xf32, #tpu.memory_space<vmem>>, vector<1x1x16xf32>,
        %swap3A_72 = vector.shape_cast %swap3A_71 : vector<1x1x16xf32> to vector<16xf32>
        %swap3A_73 = vector.shape_cast %get3A_66 : vector<16xf32> to vector<1x1x16xf32>
        tpu.vector_store %arg11[%swap3A_68, %swap3A_69, %swap3A_70], %swap3A_73 {strides = array<i32>} : memref<50x8x128xf32, #tpu.memory_space<vmem>>, vector<1x1x16xf32>,
        %get3A_74 = arith.index_cast %add3A_53 : i32 to index
        %get3A_75 = arith.constant 0 : index
        %get3A_76 = tpu.vector_load %arg10[%get3A_74, %get3A_75] {strides = array<i32>} : memref<400x16xf32, #tpu.memory_space<vmem>>, vector<1x16xf32>,
        %get3A_77 = vector.shape_cast %get3A_76 : vector<1x16xf32> to vector<16xf32>
        %swap3A_78 = arith.constant 0 : i32
        %swap3A_79 = arith.index_cast %scan3A_49 : i32 to index
        %swap3A_80 = arith.index_cast %swap3A_78 : i32 to index
        %swap3A_81 = arith.constant 32 : index
        %swap3A_82 = tpu.vector_load %arg11[%swap3A_79, %swap3A_80, %swap3A_81] {strides = array<i32>} : memref<50x8x128xf32, #tpu.memory_space<vmem>>, vector<1x1x16xf32>,
        %swap3A_83 = vector.shape_cast %swap3A_82 : vector<1x1x16xf32> to vector<16xf32>
        %swap3A_84 = vector.shape_cast %get3A_77 : vector<16xf32> to vector<1x1x16xf32>
        tpu.vector_store %arg11[%swap3A_79, %swap3A_80, %swap3A_81], %swap3A_84 {strides = array<i32>} : memref<50x8x128xf32, #tpu.memory_space<vmem>>, vector<1x1x16xf32>,
        %mul3A_85 = arith.constant 8 : i32
        %mul3A_86 = arith.muli %scan3A_49, %mul3A_85 : i32
        %add3A_87 = arith.constant 1 : i32
        %add3A_88 = arith.addi %mul3A_86, %add3A_87 : i32
        %get3A_89 = arith.index_cast %add3A_88 : i32 to index
        %get3A_90 = arith.constant 0 : index
        %get3A_91 = tpu.vector_load %arg9[%get3A_89, %get3A_90] {strides = array<i32>} : memref<400x32xf32, #tpu.memory_space<vmem>>, vector<1x16xf32>,
        %get3A_92 = vector.shape_cast %get3A_91 : vector<1x16xf32> to vector<16xf32>
        %swap3A_93 = arith.constant 1 : i32
        %swap3A_94 = arith.index_cast %scan3A_49 : i32 to index
        %swap3A_95 = arith.index_cast %swap3A_93 : i32 to index
        %swap3A_96 = arith.constant 0 : index
        %swap3A_97 = tpu.vector_load %arg11[%swap3A_94, %swap3A_95, %swap3A_96] {strides = array<i32>} : memref<50x8x128xf32, #tpu.memory_space<vmem>>, vector<1x1x16xf32>,
        %swap3A_98 = vector.shape_cast %swap3A_97 : vector<1x1x16xf32> to vector<16xf32>
        %swap3A_99 = vector.shape_cast %get3A_92 : vector<16xf32> to vector<1x1x16xf32>
        tpu.vector_store %arg11[%swap3A_94, %swap3A_95, %swap3A_96], %swap3A_99 {strides = array<i32>} : memref<50x8x128xf32, #tpu.memory_space<vmem>>, vector<1x1x16xf32>,
        %get3A_100 = arith.index_cast %add3A_88 : i32 to index
        %get3A_101 = arith.constant 16 : index
        %get3A_102 = tpu.vector_load %arg9[%get3A_100, %get3A_101] {strides = array<i32>} : memref<400x32xf32, #tpu.memory_space<vmem>>, vector<1x16xf32>,
        %get3A_103 = vector.shape_cast %get3A_102 : vector<1x16xf32> to vector<16xf32>
        %swap3A_104 = arith.constant 1 : i32
        %swap3A_105 = arith.index_cast %scan3A_49 : i32 to index
        %swap3A_106 = arith.index_cast %swap3A_104 : i32 to index
        %swap3A_107 = arith.constant 16 : index
        %swap3A_108 = tpu.vector_load %arg11[%swap3A_105, %swap3A_106, %swap3A_107] {strides = array<i32>} : memref<50x8x128xf32, #tpu.memory_space<vmem>>, vector<1x1x16xf32>,
        %swap3A_109 = vector.shape_cast %swap3A_108 : vector<1x1x16xf32> to vector<16xf32>
        %swap3A_110 = vector.shape_cast %get3A_103 : vector<16xf32> to vector<1x1x16xf32>
        tpu.vector_store %arg11[%swap3A_105, %swap3A_106, %swap3A_107], %swap3A_110 {strides = array<i32>} : memref<50x8x128xf32, #tpu.memory_space<vmem>>, vector<1x1x16xf32>,
        %get3A_111 = arith.index_cast %add3A_88 : i32 to index
        %get3A_112 = arith.constant 0 : index
        %get3A_113 = tpu.vector_load %arg10[%get3A_111, %get3A_112] {strides = array<i32>} : memref<400x16xf32, #tpu.memory_space<vmem>>, vector<1x16xf32>,
        %get3A_114 = vector.shape_cast %get3A_113 : vector<1x16xf32> to vector<16xf32>
        %swap3A_115 = arith.constant 1 : i32
        %swap3A_116 = arith.index_cast %scan3A_49 : i32 to index
        %swap3A_117 = arith.index_cast %swap3A_115 : i32 to index
        %swap3A_118 = arith.constant 32 : index
        %swap3A_119 = tpu.vector_load %arg11[%swap3A_116, %swap3A_117, %swap3A_118] {strides = array<i32>} : memref<50x8x128xf32, #tpu.memory_space<vmem>>, vector<1x1x16xf32>,
        %swap3A_120 = vector.shape_cast %swap3A_119 : vector<1x1x16xf32> to vector<16xf32>
        %swap3A_121 = vector.shape_cast %get3A_114 : vector<16xf32> to vector<1x1x16xf32>
        tpu.vector_store %arg11[%swap3A_116, %swap3A_117, %swap3A_118], %swap3A_121 {strides = array<i32>} : memref<50x8x128xf32, #tpu.memory_space<vmem>>, vector<1x1x16xf32>,
        %mul3A_122 = arith.constant 8 : i32
        %mul3A_123 = arith.muli %scan3A_49, %mul3A_122 : i32
        %add3A_124 = arith.constant 2 : i32
        %add3A_125 = arith.addi %mul3A_123, %add3A_124 : i32
        %get3A_126 = arith.index_cast %add3A_125 : i32 to index
        %get3A_127 = arith.constant 0 : index
        %get3A_128 = tpu.vector_load %arg9[%get3A_126, %get3A_127] {strides = array<i32>} : memref<400x32xf32, #tpu.memory_space<vmem>>, vector<1x16xf32>,
        %get3A_129 = vector.shape_cast %get3A_128 : vector<1x16xf32> to vector<16xf32>
        %swap3A_130 = arith.constant 2 : i32
        %swap3A_131 = arith.index_cast %scan3A_49 : i32 to index
        %swap3A_132 = arith.index_cast %swap3A_130 : i32 to index
        %swap3A_133 = arith.constant 0 : index
        %swap3A_134 = tpu.vector_load %arg11[%swap3A_131, %swap3A_132, %swap3A_133] {strides = array<i32>} : memref<50x8x128xf32, #tpu.memory_space<vmem>>, vector<1x1x16xf32>,
        %swap3A_135 = vector.shape_cast %swap3A_134 : vector<1x1x16xf32> to vector<16xf32>
        %swap3A_136 = vector.shape_cast %get3A_129 : vector<16xf32> to vector<1x1x16xf32>
        tpu.vector_store %arg11[%swap3A_131, %swap3A_132, %swap3A_133], %swap3A_136 {strides = array<i32>} : memref<50x8x128xf32, #tpu.memory_space<vmem>>, vector<1x1x16xf32>,
        %get3A_137 = arith.index_cast %add3A_125 : i32 to index
        %get3A_138 = arith.constant 16 : index
        %get3A_139 = tpu.vector_load %arg9[%get3A_137, %get3A_138] {strides = array<i32>} : memref<400x32xf32, #tpu.memory_space<vmem>>, vector<1x16xf32>,
        %get3A_140 = vector.shape_cast %get3A_139 : vector<1x16xf32> to vector<16xf32>
        %swap3A_141 = arith.constant 2 : i32
        %swap3A_142 = arith.index_cast %scan3A_49 : i32 to index
        %swap3A_143 = arith.index_cast %swap3A_141 : i32 to index
        %swap3A_144 = arith.constant 16 : index
        %swap3A_145 = tpu.vector_load %arg11[%swap3A_142, %swap3A_143, %swap3A_144] {strides = array<i32>} : memref<50x8x128xf32, #tpu.memory_space<vmem>>, vector<1x1x16xf32>,
        %swap3A_146 = vector.shape_cast %swap3A_145 : vector<1x1x16xf32> to vector<16xf32>
        %swap3A_147 = vector.shape_cast %get3A_140 : vector<16xf32> to vector<1x1x16xf32>
        tpu.vector_store %arg11[%swap3A_142, %swap3A_143, %swap3A_144], %swap3A_147 {strides = array<i32>} : memref<50x8x128xf32, #tpu.memory_space<vmem>>, vector<1x1x16xf32>,
        %get3A_148 = arith.index_cast %add3A_125 : i32 to index
        %get3A_149 = arith.constant 0 : index
        %get3A_150 = tpu.vector_load %arg10[%get3A_148, %get3A_149] {strides = array<i32>} : memref<400x16xf32, #tpu.memory_space<vmem>>, vector<1x16xf32>,
        %get3A_151 = vector.shape_cast %get3A_150 : vector<1x16xf32> to vector<16xf32>
        %swap3A_152 = arith.constant 2 : i32
        %swap3A_153 = arith.index_cast %scan3A_49 : i32 to index
        %swap3A_154 = arith.index_cast %swap3A_152 : i32 to index
        %swap3A_155 = arith.constant 32 : index
        %swap3A_156 = tpu.vector_load %arg11[%swap3A_153, %swap3A_154, %swap3A_155] {strides = array<i32>} : memref<50x8x128xf32, #tpu.memory_space<vmem>>, vector<1x1x16xf32>,
        %swap3A_157 = vector.shape_cast %swap3A_156 : vector<1x1x16xf32> to vector<16xf32>
        %swap3A_158 = vector.shape_cast %get3A_151 : vector<16xf32> to vector<1x1x16xf32>
        tpu.vector_store %arg11[%swap3A_153, %swap3A_154, %swap3A_155], %swap3A_158 {strides = array<i32>} : memref<50x8x128xf32, #tpu.memory_space<vmem>>, vector<1x1x16xf32>,
        %mul3A_159 = arith.constant 8 : i32
        %mul3A_160 = arith.muli %scan3A_49, %mul3A_159 : i32
        %add3A_161 = arith.constant 3 : i32
        %add3A_162 = arith.addi %mul3A_160, %add3A_161 : i32
        %get3A_163 = arith.index_cast %add3A_162 : i32 to index
        %get3A_164 = arith.constant 0 : index
        %get3A_165 = tpu.vector_load %arg9[%get3A_163, %get3A_164] {strides = array<i32>} : memref<400x32xf32, #tpu.memory_space<vmem>>, vector<1x16xf32>,
        %get3A_166 = vector.shape_cast %get3A_165 : vector<1x16xf32> to vector<16xf32>
        %swap3A_167 = arith.constant 3 : i32
        %swap3A_168 = arith.index_cast %scan3A_49 : i32 to index
        %swap3A_169 = arith.index_cast %swap3A_167 : i32 to index
        %swap3A_170 = arith.constant 0 : index
        %swap3A_171 = tpu.vector_load %arg11[%swap3A_168, %swap3A_169, %swap3A_170] {strides = array<i32>} : memref<50x8x128xf32, #tpu.memory_space<vmem>>, vector<1x1x16xf32>,
        %swap3A_172 = vector.shape_cast %swap3A_171 : vector<1x1x16xf32> to vector<16xf32>
        %swap3A_173 = vector.shape_cast %get3A_166 : vector<16xf32> to vector<1x1x16xf32>
        tpu.vector_store %arg11[%swap3A_168, %swap3A_169, %swap3A_170], %swap3A_173 {strides = array<i32>} : memref<50x8x128xf32, #tpu.memory_space<vmem>>, vector<1x1x16xf32>,
        %get3A_174 = arith.index_cast %add3A_162 : i32 to index
        %get3A_175 = arith.constant 16 : index
        %get3A_176 = tpu.vector_load %arg9[%get3A_174, %get3A_175] {strides = array<i32>} : memref<400x32xf32, #tpu.memory_space<vmem>>, vector<1x16xf32>,
        %get3A_177 = vector.shape_cast %get3A_176 : vector<1x16xf32> to vector<16xf32>
        %swap3A_178 = arith.constant 3 : i32
        %swap3A_179 = arith.index_cast %scan3A_49 : i32 to index
        %swap3A_180 = arith.index_cast %swap3A_178 : i32 to index
        %swap3A_181 = arith.constant 16 : index
        %swap3A_182 = tpu.vector_load %arg11[%swap3A_179, %swap3A_180, %swap3A_181] {strides = array<i32>} : memref<50x8x128xf32, #tpu.memory_space<vmem>>, vector<1x1x16xf32>,
        %swap3A_183 = vector.shape_cast %swap3A_182 : vector<1x1x16xf32> to vector<16xf32>
        %swap3A_184 = vector.shape_cast %get3A_177 : vector<16xf32> to vector<1x1x16xf32>
        tpu.vector_store %arg11[%swap3A_179, %swap3A_180, %swap3A_181], %swap3A_184 {strides = array<i32>} : memref<50x8x128xf32, #tpu.memory_space<vmem>>, vector<1x1x16xf32>,
        %get3A_185 = arith.index_cast %add3A_162 : i32 to index
        %get3A_186 = arith.constant 0 : index
        %get3A_187 = tpu.vector_load %arg10[%get3A_185, %get3A_186] {strides = array<i32>} : memref<400x16xf32, #tpu.memory_space<vmem>>, vector<1x16xf32>,
        %get3A_188 = vector.shape_cast %get3A_187 : vector<1x16xf32> to vector<16xf32>
        %swap3A_189 = arith.constant 3 : i32
        %swap3A_190 = arith.index_cast %scan3A_49 : i32 to index
        %swap3A_191 = arith.index_cast %swap3A_189 : i32 to index
        %swap3A_192 = arith.constant 32 : index
        %swap3A_193 = tpu.vector_load %arg11[%swap3A_190, %swap3A_191, %swap3A_192] {strides = array<i32>} : memref<50x8x128xf32, #tpu.memory_space<vmem>>, vector<1x1x16xf32>,
        %swap3A_194 = vector.shape_cast %swap3A_193 : vector<1x1x16xf32> to vector<16xf32>
        %swap3A_195 = vector.shape_cast %get3A_188 : vector<16xf32> to vector<1x1x16xf32>
        tpu.vector_store %arg11[%swap3A_190, %swap3A_191, %swap3A_192], %swap3A_195 {strides = array<i32>} : memref<50x8x128xf32, #tpu.memory_space<vmem>>, vector<1x1x16xf32>,
        %mul3A_196 = arith.constant 8 : i32
        %mul3A_197 = arith.muli %scan3A_49, %mul3A_196 : i32
        %add3A_198 = arith.constant 4 : i32
        %add3A_199 = arith.addi %mul3A_197, %add3A_198 : i32
        %get3A_200 = arith.index_cast %add3A_199 : i32 to index
        %get3A_201 = arith.constant 0 : index
        %get3A_202 = tpu.vector_load %arg9[%get3A_200, %get3A_201] {strides = array<i32>} : memref<400x32xf32, #tpu.memory_space<vmem>>, vector<1x16xf32>,
        %get3A_203 = vector.shape_cast %get3A_202 : vector<1x16xf32> to vector<16xf32>
        %swap3A_204 = arith.constant 4 : i32
        %swap3A_205 = arith.index_cast %scan3A_49 : i32 to index
        %swap3A_206 = arith.index_cast %swap3A_204 : i32 to index
        %swap3A_207 = arith.constant 0 : index
        %swap3A_208 = tpu.vector_load %arg11[%swap3A_205, %swap3A_206, %swap3A_207] {strides = array<i32>} : memref<50x8x128xf32, #tpu.memory_space<vmem>>, vector<1x1x16xf32>,
        %swap3A_209 = vector.shape_cast %swap3A_208 : vector<1x1x16xf32> to vector<16xf32>
        %swap3A_210 = vector.shape_cast %get3A_203 : vector<16xf32> to vector<1x1x16xf32>
        tpu.vector_store %arg11[%swap3A_205, %swap3A_206, %swap3A_207], %swap3A_210 {strides = array<i32>} : memref<50x8x128xf32, #tpu.memory_space<vmem>>, vector<1x1x16xf32>,
        %get3A_211 = arith.index_cast %add3A_199 : i32 to index
        %get3A_212 = arith.constant 16 : index
        %get3A_213 = tpu.vector_load %arg9[%get3A_211, %get3A_212] {strides = array<i32>} : memref<400x32xf32, #tpu.memory_space<vmem>>, vector<1x16xf32>,
        %get3A_214 = vector.shape_cast %get3A_213 : vector<1x16xf32> to vector<16xf32>
        %swap3A_215 = arith.constant 4 : i32
        %swap3A_216 = arith.index_cast %scan3A_49 : i32 to index
        %swap3A_217 = arith.index_cast %swap3A_215 : i32 to index
        %swap3A_218 = arith.constant 16 : index
        %swap3A_219 = tpu.vector_load %arg11[%swap3A_216, %swap3A_217, %swap3A_218] {strides = array<i32>} : memref<50x8x128xf32, #tpu.memory_space<vmem>>, vector<1x1x16xf32>,
        %swap3A_220 = vector.shape_cast %swap3A_219 : vector<1x1x16xf32> to vector<16xf32>
        %swap3A_221 = vector.shape_cast %get3A_214 : vector<16xf32> to vector<1x1x16xf32>
        tpu.vector_store %arg11[%swap3A_216, %swap3A_217, %swap3A_218], %swap3A_221 {strides = array<i32>} : memref<50x8x128xf32, #tpu.memory_space<vmem>>, vector<1x1x16xf32>,
        %get3A_222 = arith.index_cast %add3A_199 : i32 to index
        %get3A_223 = arith.constant 0 : index
        %get3A_224 = tpu.vector_load %arg10[%get3A_222, %get3A_223] {strides = array<i32>} : memref<400x16xf32, #tpu.memory_space<vmem>>, vector<1x16xf32>,
        %get3A_225 = vector.shape_cast %get3A_224 : vector<1x16xf32> to vector<16xf32>
        %swap3A_226 = arith.constant 4 : i32
        %swap3A_227 = arith.index_cast %scan3A_49 : i32 to index
        %swap3A_228 = arith.index_cast %swap3A_226 : i32 to index
        %swap3A_229 = arith.constant 32 : index
        %swap3A_230 = tpu.vector_load %arg11[%swap3A_227, %swap3A_228, %swap3A_229] {strides = array<i32>} : memref<50x8x128xf32, #tpu.memory_space<vmem>>, vector<1x1x16xf32>,
        %swap3A_231 = vector.shape_cast %swap3A_230 : vector<1x1x16xf32> to vector<16xf32>
        %swap3A_232 = vector.shape_cast %get3A_225 : vector<16xf32> to vector<1x1x16xf32>
        tpu.vector_store %arg11[%swap3A_227, %swap3A_228, %swap3A_229], %swap3A_232 {strides = array<i32>} : memref<50x8x128xf32, #tpu.memory_space<vmem>>, vector<1x1x16xf32>,
        %mul3A_233 = arith.constant 8 : i32
        %mul3A_234 = arith.muli %scan3A_49, %mul3A_233 : i32
        %add3A_235 = arith.constant 5 : i32
        %add3A_236 = arith.addi %mul3A_234, %add3A_235 : i32
        %get3A_237 = arith.index_cast %add3A_236 : i32 to index
        %get3A_238 = arith.constant 0 : index
        %get3A_239 = tpu.vector_load %arg9[%get3A_237, %get3A_238] {strides = array<i32>} : memref<400x32xf32, #tpu.memory_space<vmem>>, vector<1x16xf32>,
        %get3A_240 = vector.shape_cast %get3A_239 : vector<1x16xf32> to vector<16xf32>
        %swap3A_241 = arith.constant 5 : i32
        %swap3A_242 = arith.index_cast %scan3A_49 : i32 to index
        %swap3A_243 = arith.index_cast %swap3A_241 : i32 to index
        %swap3A_244 = arith.constant 0 : index
        %swap3A_245 = tpu.vector_load %arg11[%swap3A_242, %swap3A_243, %swap3A_244] {strides = array<i32>} : memref<50x8x128xf32, #tpu.memory_space<vmem>>, vector<1x1x16xf32>,
        %swap3A_246 = vector.shape_cast %swap3A_245 : vector<1x1x16xf32> to vector<16xf32>
        %swap3A_247 = vector.shape_cast %get3A_240 : vector<16xf32> to vector<1x1x16xf32>
        tpu.vector_store %arg11[%swap3A_242, %swap3A_243, %swap3A_244], %swap3A_247 {strides = array<i32>} : memref<50x8x128xf32, #tpu.memory_space<vmem>>, vector<1x1x16xf32>,
        %get3A_248 = arith.index_cast %add3A_236 : i32 to index
        %get3A_249 = arith.constant 16 : index
        %get3A_250 = tpu.vector_load %arg9[%get3A_248, %get3A_249] {strides = array<i32>} : memref<400x32xf32, #tpu.memory_space<vmem>>, vector<1x16xf32>,
        %get3A_251 = vector.shape_cast %get3A_250 : vector<1x16xf32> to vector<16xf32>
        %swap3A_252 = arith.constant 5 : i32
        %swap3A_253 = arith.index_cast %scan3A_49 : i32 to index
        %swap3A_254 = arith.index_cast %swap3A_252 : i32 to index
        %swap3A_255 = arith.constant 16 : index
        %swap3A_256 = tpu.vector_load %arg11[%swap3A_253, %swap3A_254, %swap3A_255] {strides = array<i32>} : memref<50x8x128xf32, #tpu.memory_space<vmem>>, vector<1x1x16xf32>,
        %swap3A_257 = vector.shape_cast %swap3A_256 : vector<1x1x16xf32> to vector<16xf32>
        %swap3A_258 = vector.shape_cast %get3A_251 : vector<16xf32> to vector<1x1x16xf32>
        tpu.vector_store %arg11[%swap3A_253, %swap3A_254, %swap3A_255], %swap3A_258 {strides = array<i32>} : memref<50x8x128xf32, #tpu.memory_space<vmem>>, vector<1x1x16xf32>,
        %get3A_259 = arith.index_cast %add3A_236 : i32 to index
        %get3A_260 = arith.constant 0 : index
        %get3A_261 = tpu.vector_load %arg10[%get3A_259, %get3A_260] {strides = array<i32>} : memref<400x16xf32, #tpu.memory_space<vmem>>, vector<1x16xf32>,
        %get3A_262 = vector.shape_cast %get3A_261 : vector<1x16xf32> to vector<16xf32>
        %swap3A_263 = arith.constant 5 : i32
        %swap3A_264 = arith.index_cast %scan3A_49 : i32 to index
        %swap3A_265 = arith.index_cast %swap3A_263 : i32 to index
        %swap3A_266 = arith.constant 32 : index
        %swap3A_267 = tpu.vector_load %arg11[%swap3A_264, %swap3A_265, %swap3A_266] {strides = array<i32>} : memref<50x8x128xf32, #tpu.memory_space<vmem>>, vector<1x1x16xf32>,
        %swap3A_268 = vector.shape_cast %swap3A_267 : vector<1x1x16xf32> to vector<16xf32>
        %swap3A_269 = vector.shape_cast %get3A_262 : vector<16xf32> to vector<1x1x16xf32>
        tpu.vector_store %arg11[%swap3A_264, %swap3A_265, %swap3A_266], %swap3A_269 {strides = array<i32>} : memref<50x8x128xf32, #tpu.memory_space<vmem>>, vector<1x1x16xf32>,
        %mul3A_270 = arith.constant 8 : i32
        %mul3A_271 = arith.muli %scan3A_49, %mul3A_270 : i32
        %add3A_272 = arith.constant 6 : i32
        %add3A_273 = arith.addi %mul3A_271, %add3A_272 : i32
        %get3A_274 = arith.index_cast %add3A_273 : i32 to index
        %get3A_275 = arith.constant 0 : index
        %get3A_276 = tpu.vector_load %arg9[%get3A_274, %get3A_275] {strides = array<i32>} : memref<400x32xf32, #tpu.memory_space<vmem>>, vector<1x16xf32>,
        %get3A_277 = vector.shape_cast %get3A_276 : vector<1x16xf32> to vector<16xf32>
        %swap3A_278 = arith.constant 6 : i32
        %swap3A_279 = arith.index_cast %scan3A_49 : i32 to index
        %swap3A_280 = arith.index_cast %swap3A_278 : i32 to index
        %swap3A_281 = arith.constant 0 : index
        %swap3A_282 = tpu.vector_load %arg11[%swap3A_279, %swap3A_280, %swap3A_281] {strides = array<i32>} : memref<50x8x128xf32, #tpu.memory_space<vmem>>, vector<1x1x16xf32>,
        %swap3A_283 = vector.shape_cast %swap3A_282 : vector<1x1x16xf32> to vector<16xf32>
        %swap3A_284 = vector.shape_cast %get3A_277 : vector<16xf32> to vector<1x1x16xf32>
        tpu.vector_store %arg11[%swap3A_279, %swap3A_280, %swap3A_281], %swap3A_284 {strides = array<i32>} : memref<50x8x128xf32, #tpu.memory_space<vmem>>, vector<1x1x16xf32>,
        %get3A_285 = arith.index_cast %add3A_273 : i32 to index
        %get3A_286 = arith.constant 16 : index
        %get3A_287 = tpu.vector_load %arg9[%get3A_285, %get3A_286] {strides = array<i32>} : memref<400x32xf32, #tpu.memory_space<vmem>>, vector<1x16xf32>,
        %get3A_288 = vector.shape_cast %get3A_287 : vector<1x16xf32> to vector<16xf32>
        %swap3A_289 = arith.constant 6 : i32
        %swap3A_290 = arith.index_cast %scan3A_49 : i32 to index
        %swap3A_291 = arith.index_cast %swap3A_289 : i32 to index
        %swap3A_292 = arith.constant 16 : index
        %swap3A_293 = tpu.vector_load %arg11[%swap3A_290, %swap3A_291, %swap3A_292] {strides = array<i32>} : memref<50x8x128xf32, #tpu.memory_space<vmem>>, vector<1x1x16xf32>,
        %swap3A_294 = vector.shape_cast %swap3A_293 : vector<1x1x16xf32> to vector<16xf32>
        %swap3A_295 = vector.shape_cast %get3A_288 : vector<16xf32> to vector<1x1x16xf32>
        tpu.vector_store %arg11[%swap3A_290, %swap3A_291, %swap3A_292], %swap3A_295 {strides = array<i32>} : memref<50x8x128xf32, #tpu.memory_space<vmem>>, vector<1x1x16xf32>,
        %get3A_296 = arith.index_cast %add3A_273 : i32 to index
        %get3A_297 = arith.constant 0 : index
        %get3A_298 = tpu.vector_load %arg10[%get3A_296, %get3A_297] {strides = array<i32>} : memref<400x16xf32, #tpu.memory_space<vmem>>, vector<1x16xf32>,
        %get3A_299 = vector.shape_cast %get3A_298 : vector<1x16xf32> to vector<16xf32>
        %swap3A_300 = arith.constant 6 : i32
        %swap3A_301 = arith.index_cast %scan3A_49 : i32 to index
        %swap3A_302 = arith.index_cast %swap3A_300 : i32 to index
        %swap3A_303 = arith.constant 32 : index
        %swap3A_304 = tpu.vector_load %arg11[%swap3A_301, %swap3A_302, %swap3A_303] {strides = array<i32>} : memref<50x8x128xf32, #tpu.memory_space<vmem>>, vector<1x1x16xf32>,
        %swap3A_305 = vector.shape_cast %swap3A_304 : vector<1x1x16xf32> to vector<16xf32>
        %swap3A_306 = vector.shape_cast %get3A_299 : vector<16xf32> to vector<1x1x16xf32>
        tpu.vector_store %arg11[%swap3A_301, %swap3A_302, %swap3A_303], %swap3A_306 {strides = array<i32>} : memref<50x8x128xf32, #tpu.memory_space<vmem>>, vector<1x1x16xf32>,
        %mul3A_307 = arith.constant 8 : i32
        %mul3A_308 = arith.muli %scan3A_49, %mul3A_307 : i32
        %add3A_309 = arith.constant 7 : i32
        %add3A_310 = arith.addi %mul3A_308, %add3A_309 : i32
        %get3A_311 = arith.index_cast %add3A_310 : i32 to index
        %get3A_312 = arith.constant 0 : index
        %get3A_313 = tpu.vector_load %arg9[%get3A_311, %get3A_312] {strides = array<i32>} : memref<400x32xf32, #tpu.memory_space<vmem>>, vector<1x16xf32>,
        %get3A_314 = vector.shape_cast %get3A_313 : vector<1x16xf32> to vector<16xf32>
        %swap3A_315 = arith.constant 7 : i32
        %swap3A_316 = arith.index_cast %scan3A_49 : i32 to index
        %swap3A_317 = arith.index_cast %swap3A_315 : i32 to index
        %swap3A_318 = arith.constant 0 : index
        %swap3A_319 = tpu.vector_load %arg11[%swap3A_316, %swap3A_317, %swap3A_318] {strides = array<i32>} : memref<50x8x128xf32, #tpu.memory_space<vmem>>, vector<1x1x16xf32>,
        %swap3A_320 = vector.shape_cast %swap3A_319 : vector<1x1x16xf32> to vector<16xf32>
        %swap3A_321 = vector.shape_cast %get3A_314 : vector<16xf32> to vector<1x1x16xf32>
        tpu.vector_store %arg11[%swap3A_316, %swap3A_317, %swap3A_318], %swap3A_321 {strides = array<i32>} : memref<50x8x128xf32, #tpu.memory_space<vmem>>, vector<1x1x16xf32>,
        %get3A_322 = arith.index_cast %add3A_310 : i32 to index
        %get3A_323 = arith.constant 16 : index
        %get3A_324 = tpu.vector_load %arg9[%get3A_322, %get3A_323] {strides = array<i32>} : memref<400x32xf32, #tpu.memory_space<vmem>>, vector<1x16xf32>,
        %get3A_325 = vector.shape_cast %get3A_324 : vector<1x16xf32> to vector<16xf32>
        %swap3A_326 = arith.constant 7 : i32
        %swap3A_327 = arith.index_cast %scan3A_49 : i32 to index
        %swap3A_328 = arith.index_cast %swap3A_326 : i32 to index
        %swap3A_329 = arith.constant 16 : index
        %swap3A_330 = tpu.vector_load %arg11[%swap3A_327, %swap3A_328, %swap3A_329] {strides = array<i32>} : memref<50x8x128xf32, #tpu.memory_space<vmem>>, vector<1x1x16xf32>,
        %swap3A_331 = vector.shape_cast %swap3A_330 : vector<1x1x16xf32> to vector<16xf32>
        %swap3A_332 = vector.shape_cast %get3A_325 : vector<16xf32> to vector<1x1x16xf32>
        tpu.vector_store %arg11[%swap3A_327, %swap3A_328, %swap3A_329], %swap3A_332 {strides = array<i32>} : memref<50x8x128xf32, #tpu.memory_space<vmem>>, vector<1x1x16xf32>,
        %get3A_333 = arith.index_cast %add3A_310 : i32 to index
        %get3A_334 = arith.constant 0 : index
        %get3A_335 = tpu.vector_load %arg10[%get3A_333, %get3A_334] {strides = array<i32>} : memref<400x16xf32, #tpu.memory_space<vmem>>, vector<1x16xf32>,
        %get3A_336 = vector.shape_cast %get3A_335 : vector<1x16xf32> to vector<16xf32>
        %swap3A_337 = arith.constant 7 : i32
        %swap3A_338 = arith.index_cast %scan3A_49 : i32 to index
        %swap3A_339 = arith.index_cast %swap3A_337 : i32 to index
        %swap3A_340 = arith.constant 32 : index
        %swap3A_341 = tpu.vector_load %arg11[%swap3A_338, %swap3A_339, %swap3A_340] {strides = array<i32>} : memref<50x8x128xf32, #tpu.memory_space<vmem>>, vector<1x1x16xf32>,
        %swap3A_342 = vector.shape_cast %swap3A_341 : vector<1x1x16xf32> to vector<16xf32>
        %swap3A_343 = vector.shape_cast %get3A_336 : vector<16xf32> to vector<1x1x16xf32>
        tpu.vector_store %arg11[%swap3A_338, %swap3A_339, %swap3A_340], %swap3A_343 {strides = array<i32>} : memref<50x8x128xf32, #tpu.memory_space<vmem>>, vector<1x1x16xf32>,
      }
      %scan3A_31 = arith.constant 50 : i32
      %add3A_32 = arith.addi %min3A_3, %mul3A_11 : i32
      %jit3A = arith.constant 8 : i32
      %div3A = arith.divsi %add3A_32, %jit3A : i32
      %sign3A = arith.constant 0 : i32
      %sign3A_33 = arith.cmpi sgt, %add3A_32, %sign3A : i32
      %sign3A_34 = arith.extui %sign3A_33 : i1 to i32
      %sign3A_35 = arith.constant 0 : i32
      %sign3A_36 = arith.cmpi slt, %add3A_32, %sign3A_35 : i32
      %sign3A_37 = arith.extui %sign3A_36 : i1 to i32
      %sign3A_38 = arith.subi %sign3A_34, %sign3A_37 : i32
      %sign3A_39 = arith.constant 0 : i32
      %sign3A_40 = arith.cmpi sgt, %jit3A, %sign3A_39 : i32
      %sign3A_41 = arith.extui %sign3A_40 : i1 to i32
      %sign3A_42 = arith.constant 0 : i32
      %sign3A_43 = arith.cmpi slt, %jit3A, %sign3A_42 : i32
      %sign3A_44 = arith.extui %sign3A_43 : i1 to i32
      %sign3A_45 = arith.subi %sign3A_41, %sign3A_44 : i32
      %ne3A = arith.cmpi ne, %sign3A_38, %sign3A_45 : i32
      %rem3A = arith.remsi %add3A_32, %jit3A : i32
      %ne3A_46 = arith.constant 0 : i32
      %ne3A_47 = arith.cmpi ne, %rem3A, %ne3A_46 : i32
      %and3A = arith.andi %ne3A, %ne3A_47 : i1
      %sub3A = arith.constant 1 : i32
      %sub3A_48 = arith.subi %div3A, %sub3A : i32
      %select_n3A = arith.select %and3A, %sub3A_48, %div3A : i32
      "tpu.region"() ({
        %run_scoped3A = tpu.sem_alloc : memref<!tpu.dma_semaphore, #tpu.memory_space<semaphore_mem>>
        %dma_start3A_49 = arith.constant 0 : i32
        %dma_start3A_50 = arith.constant 0 : i32
        %dma_start3A_51 = tpu.memref_slice %arg6[%select_n3A, %dma_start3A_49, %dma_start3A_50] : memref<12500x8x128xf32, #tpu.memory_space<hbm>> -> memref<50x8x128xf32, #tpu.memory_space<hbm>>
        %dma_start3A_52 = arith.constant 0 : i32
        %dma_start3A_53 = arith.constant 0 : i32
        %dma_start3A_54 = tpu.memref_slice %arg6[%select_n3A, %dma_start3A_52, %dma_start3A_53] : memref<12500x8x128xf32, #tpu.memory_space<hbm>> -> memref<50x8x128xf32, #tpu.memory_space<hbm>>
        tpu.enqueue_dma source(%arg11 : memref<50x8x128xf32, #tpu.memory_space<vmem>>) target(%dma_start3A_54 : memref<50x8x128xf32, #tpu.memory_space<hbm>>) target_semaphore(%run_scoped3A : memref<!tpu.dma_semaphore, #tpu.memory_space<semaphore_mem>>)
        %dma_wait3A_55 = arith.constant 0 : i32
        %dma_wait3A_56 = arith.constant 0 : i32
        %dma_wait3A_57 = tpu.memref_slice %arg6[%select_n3A, %dma_wait3A_55, %dma_wait3A_56] : memref<12500x8x128xf32, #tpu.memory_space<hbm>> -> memref<50x8x128xf32, #tpu.memory_space<hbm>>
        %dma_wait3A_58 = arith.constant 0 : i32
        %dma_wait3A_59 = arith.constant 0 : i32
        %dma_wait3A_60 = tpu.memref_slice %arg6[%select_n3A, %dma_wait3A_58, %dma_wait3A_59] : memref<12500x8x128xf32, #tpu.memory_space<hbm>> -> memref<50x8x128xf32, #tpu.memory_space<hbm>>
        tpu.wait_dma2 semaphore(%run_scoped3A : memref<!tpu.dma_semaphore, #tpu.memory_space<semaphore_mem>>) src(%arg11 : memref<50x8x128xf32, #tpu.memory_space<vmem>>) dst(%dma_wait3A_60 : memref<50x8x128xf32, #tpu.memory_space<hbm>>)
        tpu.yield
      }) : () -> ()
    }
    %scan3A_8 = arith.constant 8 : i32
    return
  }
}

</mosaic_0001>

<sc_bundles>
// kernel: kernel.3.cloned.1.call-start
scs
__scs_entry_jumppad:
0x0: {  	(pc) =	sbr.rel $0x88, $3  }
0x1: {  	(tag) =	ssettag $0x0;
	lr =	simm.s32 $0x1  }
0x2: {  	[smem:$0x3F9D] =	sst lr;
	_ =	strace $0xD0000000  }
0x3: {  	_ = 	snop  }
0x4: {  	_ = 	snop  }
0x5: {  	_ = 	snop  }
0x6: {  	_ = 	snop  }
0x7: {  	_ = 	snop  }
__scs_overlays_trampoline_lowered:
0x8: {  	[smem:$0x3FAC] =	sst s0  }
0x9: {  	[smem:$0x3FAD] =	sst s1  }
0xa: {  	[smem:$0x3FAE] =	sst s2  }
0xb: {  	[smem:$0x3FAF] =	sst s3  }
0xc: {  	[smem:$0x3FB0] =	sst s4  }
0xd: {  	[smem:$0x3FB1] =	sst s5  }
0xe: {  	[smem:$0x3FB2] =	sst s6  }
0xf: {  	[smem:$0x3FB3] =	sst s7  }
0x10: {  	[smem:$0x3FB4] =	sst s8  }
0x11: {  	[smem:$0x3FB5] =	sst s9;
	s0 =	simm.s32 @!p0 $0x0  }
0x12: {  	s1 =	sld [smem:$0x3F9B];
	s0 =	simm.s32 @p0 $0x1  }
0x13: {  	[smem:$0x3FB6] =	sst s0;
	s0 =	simm.s32 @!p1 $0x0  }
0x14: {  	s2 =	sld [smem:$0x3F9A];
	s0 =	simm.s32 @p1 $0x1  }
0x15: {  	[smem:$0x3FB7] =	sst s0;
	s0 =	simm.s32 @!p2 $0x0  }
0x16: {  	s3 =	sld [smem:$0x3FDB];
	s0 =	simm.s32 @p2 $0x1  }
0x17: {  	s4 =	simm.s32 $0x1BF5;
	[smem:$0x3FB9] =	sst s0  }
0x18: {  	s0 =	sld [smem:$0x3F9C];
	_ =	swait.ge [sflag:s4], $0x0  }
0x19: {  	s7 =	sld [smem:$0x3F9D]  }
0x1a: {  	s8 =	sadd.s32 $0xFFFFE003, lr  }
0x1b: {  	s9 =	sadd.s32 $0xFFFFFEF7, lr;
	s5 =	simm.s32 $0xFFFFFFFF;
	p2 =	slt.u32 s8, $0xFFFFF086  }
0x1c: {  	p1 =	slt.u32 s9, $0xF7A;
	s5 =	simm.s32 @!p2 $0x0  }
0x1d: {  	s5 =	simm.s32 @p1 $0x1;
	p0 =	seq.s32 s7, s2  }
0x1e: {  	s7 =	smul.u32 @!p0 $0xF7A, s2;
	p2 =	seq.s32 @!p0 s5, $0x0  }
0x1f: {  	s9 =	smul.u32 $0xF7A, s1;
	s8 =	simm.s32 @!p0 $0x1BF5;
	p2 =	por !p2, p0  }
0x20: {  	[sflag:s8] =	ssyncset.s32 @!p0 $0xFFFFF086;
	s6 =	sadd.s32 @!p0 s3, s7;
	s7 =	simm.s32 @!p0 $0x108  }
0x21: {  	s3 =	sadd.s32 s3, s9;
	s6 =	sadd.s32 @!p0 $0x88, s6;
	s7 =	simm.s32 @p2 $0x1082  }
0x22: {  	[simem:s7], [sflag:s8] =	dma.local @!p0 [hbm:s6], $0xF7A  }
0x23: {  	s9 =	sor.u32 $0xD0000000, s2;
	s6 =	simm.s32 $0x108;
	_ =	swait.ge @!p0 [sflag:s8], $0x0  }
0x24: {  	s3 =	sadd.s32 $0x88, s3;
	s6 =	simm.s32 @!p1 $0x1082;
	[sflag:s4] =	ssyncset.s32 $0xFFFFF086  }
0x25: {  	[simem:s6], [sflag:s4] =	dma.local [hbm:s3], $0xF7A  }
0x26: {  	[smem:$0x3F9D] =	sst s1;
	(tag) =	ssettag s2;
	_ =	strace s9  }
0x27: {  	s1 =	sld [smem:$0x3FAD]  }
0x28: {  	s2 =	sld [smem:$0x3FAE]  }
0x29: {  	s4 =	sld [smem:$0x3FB0]  }
0x2a: {  	p0 =	seq.s32 s5, $0x0;
	s5 =	sld [smem:$0x3FB1]  }
0x2b: {  	s6 =	sld [smem:$0x3FB2]  }
0x2c: {  	s7 =	sld [smem:$0x3FB3]  }
0x2d: {  	s3 =	simm.s32 $0x108;
	s8 =	sld [smem:$0x3FB4]  }
0x2e: {  	s3 =	simm.s32 @!p0 $0x1082;
	s9 =	sld [smem:$0x3FB5]  }
0x2f: {  	lr =	sadd.s32 s0, s3;
	s0 =	sld [smem:$0x3FAC]  }
0x30: {  	s3 =	sld [smem:$0x3FAF]  }
0x31: {  	[smem:$0x3FB8] =	sst s10  }
0x32: {  	s10 =	sld [smem:$0x3FB6];
	_ =	sdelay $0x3  }
0x33: {  	p0 =	seq.s32 s10, $0x1;
	s10 =	sld [smem:$0x3FB8];
	_ =	sdelay $0x3  }
0x34: {  	[smem:$0x3FB8] =	sst s10  }
0x35: {  	s10 =	sld [smem:$0x3FB7];
	_ =	sdelay $0x3  }
0x36: {  	p1 =	seq.s32 s10, $0x1;
	s10 =	sld [smem:$0x3FB8];
	_ =	sdelay $0x3  }
0x37: {  	[smem:$0x3FB8] =	sst s10  }
0x38: {  	s10 =	sld [smem:$0x3FB9]  }
0x39: {  	_ = 	snop;
	(pc) =	sbr.ind lr, $3  }
0x3a: {  	_ = 	snop  }
0x3b: {  	_ = 	snop  }
0x3c: {  	p2 =	seq.s32 s10, $0x1;
	s10 =	sld [smem:$0x3FB8]  }
0x3d: {  	_ =	shalt  }
0x3e: {  	_ =	shalt  }
0x3f: {  	_ =	shalt  }
0x40: {  	_ =	shalt  }
0x41: {  	_ =	shalt  }
0x42: {  	_ =	shalt  }
0x43: {  	_ =	shalt  }
0x44: {  	_ =	shalt  }
0x45: {  	_ =	shalt  }
0x46: {  	_ =	shalt  }
0x47: {  	_ =	shalt  }
0x48: {  	_ =	shalt  }
0x49: {  	_ =	shalt  }
0x4a: {  	_ =	shalt  }
0x4b: {  	_ =	shalt  }
0x4c: {  	_ =	shalt  }
0x4d: {  	_ =	shalt  }
0x4e: {  	_ =	shalt  }
0x4f: {  	_ =	shalt  }
0x50: {  	_ =	shalt  }
0x51: {  	_ =	shalt  }
0x52: {  	_ =	shalt  }
0x53: {  	_ =	shalt  }
0x54: {  	_ =	shalt  }
0x55: {  	_ =	shalt  }
0x56: {  	_ =	shalt  }
0x57: {  	_ =	shalt  }
0x58: {  	_ =	shalt  }
0x59: {  	_ =	shalt  }
0x5a: {  	_ =	shalt  }
0x5b: {  	_ =	shalt  }
0x5c: {  	_ =	shalt  }
0x5d: {  	_ =	shalt  }
0x5e: {  	_ =	shalt  }
0x5f: {  	_ =	shalt  }
0x60: {  	_ =	shalt  }
0x61: {  	_ =	shalt  }
0x62: {  	_ =	shalt  }
0x63: {  	_ =	shalt  }
0x64: {  	_ =	shalt  }
0x65: {  	_ =	shalt  }
0x66: {  	_ =	shalt  }
0x67: {  	_ =	shalt  }
0x68: {  	_ =	shalt  }
0x69: {  	_ =	shalt  }
0x6a: {  	_ =	shalt  }
0x6b: {  	_ =	shalt  }
0x6c: {  	_ =	shalt  }
0x6d: {  	_ =	shalt  }
0x6e: {  	_ =	shalt  }
0x6f: {  	_ =	shalt  }
0x70: {  	_ =	shalt  }
0x71: {  	_ =	shalt  }
0x72: {  	_ =	shalt  }
0x73: {  	_ =	shalt  }
0x74: {  	_ =	shalt  }
0x75: {  	_ =	shalt  }
0x76: {  	_ =	shalt  }
0x77: {  	_ =	shalt  }
0x78: {  	_ =	shalt  }
0x79: {  	_ =	shalt  }
0x7a: {  	_ =	shalt  }
0x7b: {  	_ =	shalt  }
0x7c: {  	_ =	shalt  }
0x7d: {  	_ =	shalt  }
0x7e: {  	_ =	shalt  }
0x7f: {  	_ =	shalt  }
0x80: {  	_ =	shalt  }
0x81: {  	_ =	shalt  }
0x82: {  	_ =	shalt  }
0x83: {  	_ =	shalt  }
0x84: {  	_ =	shalt  }
0x85: {  	_ =	shalt  }
0x86: {  	_ =	shalt  }
0x87: {  	_ =	shalt  }
.Lfunc_end0:
.L_simem_size_0:
called_computation_lowered:
.L_overlay_start_0:
0x88: {  	s2 =	sld [smem:$0x3FD9]  }
0x89: {  	s3 =	sld [smem:$0x3FFE];
	_ =	sdelay $0x1  }
0x8a: {  	s1 =	srdreg.scid  }
0x8b: {  	s0 =	sand.u32 $0x1, s1  }
0x8c: {  	s17 =	sshll.u32 s0, $0xA;
	s2 =	sadd.s32 s3, s2  }
0x8d: {  	s2 =	sadd.s32 s2, s17  }
0x8e: {  	[smem:$0x3FC4] =	sst s2  }
0x8f: {  	_ = 	snop  }
0x90: {  	s2 =	sld [smem:$0x3FC9]  }
0x91: {  	s18 =	sld [smem:$0x3FC8]  }
0x92: {  	s4 =	sld [smem:$0x3FD0];
	(tm) =	ssettm $0x1  }
0x93: {  	s5 =	sld [smem:$0x3FFB];
	_ =	sdelay $0x3  }
0x94: {  	_ =	strace s5  }
0x95: {  	s5 =	sld [smem:$0x3FFC];
	_ =	sdelay $0x3  }
0x96: {  	_ =	strace s5  }
0x97: {  	s5 =	sld [smem:$0x3FFD];
	_ =	sdelay $0x3  }
0x98: {  	_ =	strace s5  }
0x99: {  	_ =	strace $0x8FFFFFFF  }
0x9a: {  	s19 =	sld [smem:$0x3FDB];
	_ =	sdelay $0x1  }
0x9b: {  	s6 =	simm.s32 $_scs_section_size  }
0x9c: {  	s7 =	simm.s32 $_size__tile_overlayer_lowered;
	s8 =	simm.s32 $_tile_overlayer_lowered  }
0x9d: {  	s22 =	simm.s32 $0x1BFF;
	s21 =	sshll.u32 s8, $0x1;
	s5 =	sadd.s32 s6, s19  }
0x9e: {  	s9 =	simm.s32 $0x0;
	s20 =	sshll.u32 s7, $0x1;
	s7 =	sadd.s32 s21, s5  }
0x9f: {  	[timem:s9], [sflag:s22] =	dma.local [hbm:s7], s20  }
0xa0: {  	_ =	swait.ge [sflag:s22], s20  }
0xa1: {  	s6 =	ssub.s32 $0x0, s20;
	[sflag:s22] =	ssyncset.done $0x0  }
0xa2: {  	[sflag:s22] =	ssyncadd.s32 s6;
	_ =	sdelay $0x1  }
0xa3: {  	s23 =	simm.s32 $0x1B8B  }
0xa4: {  	_ =	swait.ge [sflag:s23], $0x1  }
0xa5: {  	[sflag:s23] =	ssyncset.done $0x0  }
0xa6: {  	s25 =	simm.s32 $0x1B8E;
	s24 =	sld [smem:$0x3FFE];
	[sflag:s23] =	ssyncadd.s32 $0xFFFFFFFF  }
0xa7: {  	s26 =	simm.s32 $execute0_lowered;
	[smem:$0x3FD2] =	sst s25  }
0xa8: {  	s7 =	sshll.u32 s26, $0x1;
	_ =	strace $0x80000046;
	[dreg:$0x1] =	wrdreg $0xFFFFFFFF  }
0xa9: {  	s28 =	simm.s32 $_size_execute0_lowered;
	s5 =	sadd.s32 s5, s7;
	[dreg:$0x0] =	wrdreg $0x0  }
0xaa: {  	s7 =	sshll.u32 s28, $0x1;
	[dreg:$0x2] =	wrdreg s5  }
0xab: {  	[dreg:$0x3] =	wrdreg s7  }
0xac: {  	[dreg:$0x4] =	wrdreg $0xC0  }
0xad: {  	_ =	task [dreg:s9], $0x5FFFF  }
0xae: {  	[dreg:$0x1] =	wrdreg $0xFFFFFFFF  }
0xaf: {  	[dreg:$0x0] =	wrdreg $0x60  }
0xb0: {  	[dreg:$0x2] =	wrdreg s2  }
0xb1: {  	[dreg:$0x3] =	wrdreg s18  }
0xb2: {  	[dreg:$0x4] =	wrdreg s24  }
0xb3: {  	[dreg:$0x5] =	wrdreg s4  }
0xb4: {  	[dreg:$0x6] =	wrdreg $0x9  }
0xb5: {  	_ =	task.clear_ibuf [dreg:s9], $0x7FFFF;
	_ =	strace $0x90000046  }
0xb6: {  	s29 =	simm.s32 $0x9;
	_ =	strace $0x80000048  }
0xb7: {  	_ =	swait.ge [sflag:s29], $0x1  }
0xb8: {  	[sflag:s29] =	ssyncadd.s32 $0xFFFFFFFF  }
0xb9: {  	_ =	strace $0x90000048  }
0xba: {  	_ =	sfence  }
0xbb: {  	s30 =	sld [smem:$0x0];
	_ =	sdelay $0x2  }
0xbc: {  	s31 =	sshll.u32 s1, $0xD;
	s1 =	sshrl.u32 s1, $0x2  }
0xbd: {  	s3 =	sand.u32 $0x4000, s31;
	s1 =	sadd.s32 s1, s30  }
0xbe: {  	s0 =	sor.u32 s3, s0;
	s1 =	sshll.u32 s1, $0x11  }
0xbf: {  	s0 =	sor.u32 s1, s0  }
0xc0: {  	s0 =	sadd.s32 $0x8F2B, s0  }
0xc1: {  	[sflag:s0] =	ssyncadd.remote.s32 $0x1  }
0xc2: {  	_ =	sfence.sel $0xFFFF  }
0xc3: {  	[dreg:$0x0] =	wrdreg $0xFFFFFFFF;
	(pc) =	sbr.abs _section_cstart, $3  }
0xc4: {  	[dreg:$0x1] =	wrdreg $0xFFFFFFFF  }
0xc5: {  	_ =	task.clear_ibuf [dreg:s9], $0x2FFFF;
	_ =	strace $0x9FFFFFFF  }
0xc6: {  	(tm) =	ssettm $0x7FFFFFFF  }
0xc7: {  	_ =	shalt  }
tec
execute0_lowered:
.L_overlay_start_1:
0x0: {  	(tag) =	ssettag $0x1  }
0x1: {  	s7 =	rddreg [dreg:$0x0]  }
0x2: {  	s8 =	rddreg [dreg:$0x1]  }
0x3: {  	s6 =	rddreg [dreg:$0x2];
	s1 =	srdreg.scid  }
0x4: {  	s0 =	stileid.u32;
	s2 =	rddreg [dreg:$0x3]  }
0x5: {  	s3 =	simm.s32 $0x0;
	s11 =	simm.s32 $0xC80;
	s12 =	simm.s32 $0x190  }
0x6: {  	s13 =	simm.s32 $0x1900;
	s14 =	simm.s32 $0x4B00;
	s15 =	simm.s32 $0x1  }
0x7: {  	s16 =	simm.s32 $0x2;
	s4 =	sand.u32 $0x1, s1;
	s5 =	sshll.u32 s0, $0x1  }
0x8: {  	s17 =	simm.s32 $0x6400;
	s1 =	rddreg [dreg:$0x4];
	s5 =	sor.u32 s4, s5  }
0x9: {  	s18 =	simm.s32 $0x0;
	[smem:$0x7FF] =	sst s3;
	s5 =	smul.u32 $0xC80, s5  }
0xa: {  	_ =	strace $0x80000047;
	s9 =	ssub.s32 $0x2, s4;
	s4 =	sadd.s32 $0xF42A00, s6  }
0xb: {  	s6 =	sadd.s32 $0x600, s6;
	s10 =	sshrl.u32 s9, $0x1;
	s5 =	smin.u32 s5, $0x17A20  }
0xc: {  	s9 =	ssub.s32 s9, s10;
	s10 =	simm.s32 $0x3;
	s31 =	sshrl.u32 s5, $0x3  }
0xd: {  	s9 =	smax.u32 s9, $0x1;
	s7 =	sadd.s32 s7, s31;
	s8 =	sadd.s32 s8, s31  }
.LBB2_1:
0xe: {  	[tilespmem:s3], [sflag:$0x3] =	stream.linear.gather [hbm4b:s7+s3], $0xC80, $0x38;
	[tilespmem:$0x12C00] =	vst v63  }
0xf: {  	_ =	swait.ge [sflag:s10], $0xC80  }
0x10: {  	[sflag:s10] =	ssyncset.done $0x0  }
0x11: {  	[sflag:s10] =	ssyncadd.s32 $0xFFFFF380  }
0x12: {  	[tilespmem:s11], [sflag:$0x3] =	stream.linear.gather [hbm4b:s8+s3], $0xC80, $0x38;
	[tilespmem:$0x12C00] =	vst v63  }
0x13: {  	_ =	swait.ge [sflag:s10], $0xC80  }
0x14: {  	[sflag:s10] =	ssyncset.done $0x0  }
0x15: {  	s19 =	simm.s32 $0x0;
	[sflag:s10] =	ssyncadd.s32 $0xFFFFF380  }
.LBB2_2:
0x16: {  	s20 =	smul.u32 $0x190, s19;
	_ =	sdelay $0x1  }
0x17: {  	[tilespmem:s13], [sflag:$0x1] =	stream.indirect.gather [hbm4b:s4+s12], $0x20, s20, s12, $0xb8;
	[tilespmem:$0x12C00] =	vst v63  }
0x18: {  	s21 =	sadd.s32 $0xC80, s20  }
0x19: {  	[tilespmem:s14], [sflag:$0x2] =	stream.indirect.gather [hbm4b:s2+s12], $0x10, s21, s12, $0xb8;
	[tilespmem:$0x12C00] =	vst v63  }
0x1a: {  	_ =	swait.ge [sflag:s15], $0x3200  }
0x1b: {  	[sflag:s15] =	ssyncset.done $0x0  }
0x1c: {  	[sflag:s15] =	ssyncadd.s32 $0xFFFFCE00  }
0x1d: {  	_ =	swait.ge [sflag:s16], $0x1900  }
0x1e: {  	[sflag:s16] =	ssyncset.done $0x0  }
0x1f: {  	s22 =	simm.s32 $0x1980;
	[sflag:s16] =	ssyncadd.s32 $0xFFFFE700  }
0x20: {  	v0 =	vld [tilespmem:s22+$0xFFFFFF80];
	_ =	sdelay $0x3  }
0x21: {  	s21 =	simm.s32 $0x6600  }
0x22: {  	[tilespmem:s21+$0xFFFFFE00] =	vst v0  }
0x23: {  	v0 =	vld [tilespmem:s22+$0xFFFFFF90];
	_ =	sdelay $0x4  }
0x24: {  	s23 =	simm.s32 $0x70;
	[tilespmem:s21+$0xFFFFFE10] =	vst v0  }
0x25: {  	v0 =	vld [tilespmem:s23+$0x4A90];
	_ =	sdelay $0x4  }
0x26: {  	[tilespmem:s21+$0xFFFFFE20] =	vst v0  }
0x27: {  	v0 =	vld [tilespmem:s22+$0xFFFFFFA0];
	_ =	sdelay $0x4  }
0x28: {  	[tilespmem:s21+$0xFFFFFE80] =	vst v0  }
0x29: {  	v0 =	vld [tilespmem:s22+$0xFFFFFFB0];
	_ =	sdelay $0x4  }
0x2a: {  	[tilespmem:s21+$0xFFFFFE90] =	vst v0  }
0x2b: {  	v0 =	vld [tilespmem:s23+$0x4AA0];
	_ =	sdelay $0x4  }
0x2c: {  	[tilespmem:s21+$0xFFFFFEA0] =	vst v0  }
0x2d: {  	v0 =	vld [tilespmem:s22+$0xFFFFFFC0];
	_ =	sdelay $0x4  }
0x2e: {  	[tilespmem:s21+$0xFFFFFF00] =	vst v0  }
0x2f: {  	v0 =	vld [tilespmem:s22+$0xFFFFFFD0];
	_ =	sdelay $0x4  }
0x30: {  	[tilespmem:s21+$0xFFFFFF10] =	vst v0  }
0x31: {  	v0 =	vld [tilespmem:s23+$0x4AB0];
	_ =	sdelay $0x4  }
0x32: {  	[tilespmem:s21+$0xFFFFFF20] =	vst v0  }
0x33: {  	v0 =	vld [tilespmem:s22+$0xFFFFFFE0];
	_ =	sdelay $0x4  }
0x34: {  	[tilespmem:s21+$0xFFFFFF80] =	vst v0  }
0x35: {  	v0 =	vld [tilespmem:s22+$0xFFFFFFF0];
	_ =	sdelay $0x4  }
0x36: {  	[tilespmem:s21+$0xFFFFFF90] =	vst v0  }
0x37: {  	v0 =	vld [tilespmem:s23+$0x4AC0];
	_ =	sdelay $0x4  }
0x38: {  	[tilespmem:s21+$0xFFFFFFA0] =	vst v0  }
0x39: {  	v0 =	vld [tilespmem:s22+$0x0];
	_ =	sdelay $0x4  }
0x3a: {  	[tilespmem:s21+$0x0] =	vst v0  }
0x3b: {  	v0 =	vld [tilespmem:s22+$0x10];
	_ =	sdelay $0x4  }
0x3c: {  	[tilespmem:s21+$0x10] =	vst v0  }
0x3d: {  	v0 =	vld [tilespmem:s23+$0x4AD0];
	_ =	sdelay $0x4  }
0x3e: {  	[tilespmem:s21+$0x20] =	vst v0  }
0x3f: {  	v0 =	vld [tilespmem:s22+$0x20];
	_ =	sdelay $0x4  }
0x40: {  	[tilespmem:s21+$0x80] =	vst v0  }
0x41: {  	v0 =	vld [tilespmem:s22+$0x30];
	_ =	sdelay $0x4  }
0x42: {  	[tilespmem:s21+$0x90] =	vst v0  }
0x43: {  	v0 =	vld [tilespmem:s23+$0x4AE0];
	_ =	sdelay $0x4  }
0x44: {  	[tilespmem:s21+$0xA0] =	vst v0  }
0x45: {  	v0 =	vld [tilespmem:s22+$0x40];
	_ =	sdelay $0x4  }
0x46: {  	[tilespmem:s21+$0x100] =	vst v0  }
0x47: {  	v0 =	vld [tilespmem:s22+$0x50];
	_ =	sdelay $0x4  }
0x48: {  	[tilespmem:s21+$0x110] =	vst v0  }
0x49: {  	v0 =	vld [tilespmem:s23+$0x4AF0];
	_ =	sdelay $0x4  }
0x4a: {  	[tilespmem:s21+$0x120] =	vst v0  }
0x4b: {  	v0 =	vld [tilespmem:s22+$0x60];
	_ =	sdelay $0x4  }
0x4c: {  	[tilespmem:s21+$0x180] =	vst v0  }
0x4d: {  	v0 =	vld [tilespmem:s22+$0x70];
	_ =	sdelay $0x4  }
0x4e: {  	[tilespmem:s21+$0x190] =	vst v0  }
0x4f: {  	v0 =	vld [tilespmem:s23+$0x4B00];
	_ =	sdelay $0x4  }
0x50: {  	s22 =	simm.s32 $0x1A80;
	[tilespmem:s21+$0x1A0] =	vst v0  }
0x51: {  	s24 =	simm.s32 $0x5C0;
	s23 =	simm.s32 $0x3C0;
	v0 =	vld [tilespmem:s22+$0xFFFFFF80]  }
.LBB2_3:
0x52: {  	p0 =	sne.s32 s24, $0x63C0;
	_ =	sdelay $0x2  }
0x53: {  	s21 =	sadd.s32 $0x400, s21  }
0x54: {  	[tilespmem:s21+$0xFFFFFE00] =	vst v0  }
0x55: {  	v0 =	vld [tilespmem:s22+$0xFFFFFF90];
	_ =	sdelay $0x4  }
0x56: {  	s25 =	sshra.s32 s23, $0x2;
	s23 =	smov.u32 s24;
	[tilespmem:s21+$0xFFFFFE10] =	vst v0  }
0x57: {  	v0 =	vld [tilespmem:s25+$0x4A90];
	_ =	sdelay $0x4  }
0x58: {  	[tilespmem:s21+$0xFFFFFE20] =	vst v0  }
0x59: {  	v0 =	vld [tilespmem:s22+$0xFFFFFFA0];
	_ =	sdelay $0x4  }
0x5a: {  	[tilespmem:s21+$0xFFFFFE80] =	vst v0  }
0x5b: {  	v0 =	vld [tilespmem:s22+$0xFFFFFFB0];
	_ =	sdelay $0x4  }
0x5c: {  	[tilespmem:s21+$0xFFFFFE90] =	vst v0  }
0x5d: {  	v0 =	vld [tilespmem:s25+$0x4AA0];
	_ =	sdelay $0x4  }
0x5e: {  	[tilespmem:s21+$0xFFFFFEA0] =	vst v0  }
0x5f: {  	v0 =	vld [tilespmem:s22+$0xFFFFFFC0];
	_ =	sdelay $0x4  }
0x60: {  	[tilespmem:s21+$0xFFFFFF00] =	vst v0  }
0x61: {  	v0 =	vld [tilespmem:s22+$0xFFFFFFD0];
	_ =	sdelay $0x4  }
0x62: {  	[tilespmem:s21+$0xFFFFFF10] =	vst v0  }
0x63: {  	v0 =	vld [tilespmem:s25+$0x4AB0];
	_ =	sdelay $0x4  }
0x64: {  	[tilespmem:s21+$0xFFFFFF20] =	vst v0  }
0x65: {  	v0 =	vld [tilespmem:s22+$0xFFFFFFE0];
	_ =	sdelay $0x4  }
0x66: {  	[tilespmem:s21+$0xFFFFFF80] =	vst v0  }
0x67: {  	v0 =	vld [tilespmem:s22+$0xFFFFFFF0];
	_ =	sdelay $0x4  }
0x68: {  	[tilespmem:s21+$0xFFFFFF90] =	vst v0  }
0x69: {  	v0 =	vld [tilespmem:s25+$0x4AC0];
	_ =	sdelay $0x4  }
0x6a: {  	[tilespmem:s21+$0xFFFFFFA0] =	vst v0  }
0x6b: {  	v0 =	vld [tilespmem:s22+$0x0];
	_ =	sdelay $0x4  }
0x6c: {  	[tilespmem:s21+$0x0] =	vst v0  }
0x6d: {  	v0 =	vld [tilespmem:s22+$0x10];
	_ =	sdelay $0x4  }
0x6e: {  	[tilespmem:s21+$0x10] =	vst v0  }
0x6f: {  	v0 =	vld [tilespmem:s25+$0x4AD0];
	_ =	sdelay $0x4  }
0x70: {  	[tilespmem:s21+$0x20] =	vst v0  }
0x71: {  	v0 =	vld [tilespmem:s22+$0x20];
	_ =	sdelay $0x4  }
0x72: {  	[tilespmem:s21+$0x80] =	vst v0  }
0x73: {  	v0 =	vld [tilespmem:s22+$0x30];
	_ =	sdelay $0x4  }
0x74: {  	[tilespmem:s21+$0x90] =	vst v0  }
0x75: {  	v0 =	vld [tilespmem:s25+$0x4AE0];
	_ =	sdelay $0x4  }
0x76: {  	[tilespmem:s21+$0xA0] =	vst v0  }
0x77: {  	v0 =	vld [tilespmem:s22+$0x40];
	_ =	sdelay $0x4  }
0x78: {  	[tilespmem:s21+$0x100] =	vst v0  }
0x79: {  	v0 =	vld [tilespmem:s22+$0x50];
	_ =	sdelay $0x4  }
0x7a: {  	[tilespmem:s21+$0x110] =	vst v0  }
0x7b: {  	v0 =	vld [tilespmem:s25+$0x4AF0];
	_ =	sdelay $0x4  }
0x7c: {  	[tilespmem:s21+$0x120] =	vst v0  }
0x7d: {  	v0 =	vld [tilespmem:s22+$0x60];
	_ =	sdelay $0x4  }
0x7e: {  	[tilespmem:s21+$0x180] =	vst v0  }
0x7f: {  	v0 =	vld [tilespmem:s22+$0x70];
	_ =	sdelay $0x4  }
0x80: {  	[tilespmem:s21+$0x190] =	vst v0  }
0x81: {  	v0 =	vld [tilespmem:s25+$0x4B00];
	_ =	sdelay $0x1  }
.Ltmp0:
0x82: {  	(pc) =	sbr.rel @p0 .LBB2_3-.Ltmp0, $3  }
0x83: {  	_ =	sdelay $0x1  }
0x84: {  	s22 =	sadd.s32 $0x100, s22;
	[tilespmem:s21+$0x1A0] =	vst v0  }
0x85: {  	s24 =	sadd.s32 $0x200, s24;
	v0 =	vld [tilespmem:s22+$0xFFFFFF80]  }
0x86: {  	_ =	sdelay $0x2  }
0x87: {  	s21 =	sadd.s32 $0x400, s21  }
0x88: {  	[tilespmem:s21+$0xFFFFFE00] =	vst v0  }
0x89: {  	v0 =	vld [tilespmem:s22+$0xFFFFFF90];
	_ =	sdelay $0x4  }
0x8a: {  	s23 =	sshra.s32 s23, $0x2;
	[tilespmem:s21+$0xFFFFFE10] =	vst v0  }
0x8b: {  	v0 =	vld [tilespmem:s23+$0x4A90];
	_ =	sdelay $0x4  }
0x8c: {  	[tilespmem:s21+$0xFFFFFE20] =	vst v0  }
0x8d: {  	v0 =	vld [tilespmem:s22+$0xFFFFFFA0];
	_ =	sdelay $0x4  }
0x8e: {  	[tilespmem:s21+$0xFFFFFE80] =	vst v0  }
0x8f: {  	v0 =	vld [tilespmem:s22+$0xFFFFFFB0];
	_ =	sdelay $0x4  }
0x90: {  	[tilespmem:s21+$0xFFFFFE90] =	vst v0  }
0x91: {  	v0 =	vld [tilespmem:s23+$0x4AA0];
	_ =	sdelay $0x4  }
0x92: {  	[tilespmem:s21+$0xFFFFFEA0] =	vst v0  }
0x93: {  	v0 =	vld [tilespmem:s22+$0xFFFFFFC0];
	_ =	sdelay $0x4  }
0x94: {  	[tilespmem:s21+$0xFFFFFF00] =	vst v0  }
0x95: {  	v0 =	vld [tilespmem:s22+$0xFFFFFFD0];
	_ =	sdelay $0x4  }
0x96: {  	[tilespmem:s21+$0xFFFFFF10] =	vst v0  }
0x97: {  	v0 =	vld [tilespmem:s23+$0x4AB0];
	_ =	sdelay $0x4  }
0x98: {  	[tilespmem:s21+$0xFFFFFF20] =	vst v0  }
0x99: {  	v0 =	vld [tilespmem:s22+$0xFFFFFFE0];
	_ =	sdelay $0x4  }
0x9a: {  	[tilespmem:s21+$0xFFFFFF80] =	vst v0  }
0x9b: {  	v0 =	vld [tilespmem:s22+$0xFFFFFFF0];
	_ =	sdelay $0x4  }
0x9c: {  	[tilespmem:s21+$0xFFFFFF90] =	vst v0  }
0x9d: {  	v0 =	vld [tilespmem:s23+$0x4AC0];
	_ =	sdelay $0x4  }
0x9e: {  	[tilespmem:s21+$0xFFFFFFA0] =	vst v0  }
0x9f: {  	v0 =	vld [tilespmem:s22+$0x0];
	_ =	sdelay $0x4  }
0xa0: {  	[tilespmem:s21+$0x0] =	vst v0  }
0xa1: {  	v0 =	vld [tilespmem:s22+$0x10];
	_ =	sdelay $0x4  }
0xa2: {  	[tilespmem:s21+$0x10] =	vst v0  }
0xa3: {  	v0 =	vld [tilespmem:s23+$0x4AD0];
	_ =	sdelay $0x4  }
0xa4: {  	[tilespmem:s21+$0x20] =	vst v0  }
0xa5: {  	v0 =	vld [tilespmem:s22+$0x20];
	_ =	sdelay $0x4  }
0xa6: {  	[tilespmem:s21+$0x80] =	vst v0  }
0xa7: {  	v0 =	vld [tilespmem:s22+$0x30];
	_ =	sdelay $0x4  }
0xa8: {  	[tilespmem:s21+$0x90] =	vst v0  }
0xa9: {  	v0 =	vld [tilespmem:s23+$0x4AE0];
	_ =	sdelay $0x4  }
0xaa: {  	[tilespmem:s21+$0xA0] =	vst v0  }
0xab: {  	v0 =	vld [tilespmem:s22+$0x40];
	_ =	sdelay $0x4  }
0xac: {  	[tilespmem:s21+$0x100] =	vst v0  }
0xad: {  	v0 =	vld [tilespmem:s22+$0x50];
	_ =	sdelay $0x4  }
0xae: {  	[tilespmem:s21+$0x110] =	vst v0  }
0xaf: {  	v0 =	vld [tilespmem:s23+$0x4AF0];
	_ =	sdelay $0x4  }
0xb0: {  	[tilespmem:s21+$0x120] =	vst v0  }
0xb1: {  	v0 =	vld [tilespmem:s22+$0x60];
	_ =	sdelay $0x4  }
0xb2: {  	[tilespmem:s21+$0x180] =	vst v0  }
0xb3: {  	v0 =	vld [tilespmem:s22+$0x70];
	_ =	sdelay $0x4  }
0xb4: {  	[tilespmem:s21+$0x190] =	vst v0  }
0xb5: {  	v0 =	vld [tilespmem:s23+$0x4B00];
	_ =	sdelay $0x2  }
0xb6: {  	s20 =	sadd.s32 s5, s20;
	s19 =	sadd.s32 $0x1, s19  }
0xb7: {  	s20 =	sshll.u32 s20, $0x4;
	p0 =	sne.s32 s19, $0x8  }
.Ltmp1:
0xb8: {  	s20 =	sadd.s32 s6, s20;
	[tilespmem:s21+$0x1A0] =	vst v0;
	(pc) =	sbr.rel @p0 .LBB2_2-.Ltmp1, $4  }
0xb9: {  	[hbm4b:s20+s3] =	stream.linear.scatter [tilespmem:s17], [sflag:$0x3], $0xC800, $0x38;
	[tilespmem:$0x12C00] =	vst v63  }
0xba: {  	_ =	swait.ge [sflag:s10], $0xC800  }
0xbb: {  	[sflag:s10] =	ssyncset.done $0x0  }
0xbc: {  	[sflag:s10] =	ssyncadd.s32 $0xFFFF3800  }
0xbd: {  	s18 =	sadd.s32 $0x1, s18  }
0xbe: {  	p0 =	sne.s32 s18, s9  }
.Ltmp2:
0xbf: {  	_ = 	snop;
	(pc) =	sbr.rel @p0 .LBB2_1-.Ltmp2, $1  }
0xc0: {  	_ =	sdelay $0x3  }
0xc1: {  	_ =	sfence.sel $0x180000  }
0xc2: {  	[bflag:$0x0] =	sbarrier.arrive $0xFFFF  }
0xc3: {  	p0 =	sne.s32 s0, $0x0;
	_ =	strace $0x90000047  }
0xc4: {  	s0 =	sadd.s32 @!p0 $0x100000, s1;
	[bflag:$0x2] =	sbarrier.arrive $0xFFFF  }
0xc5: {  	[sflag:s0] =	ssyncadd.tile.s32 @!p0 $0x1;
	_ =	shalt  }
.Lfunc_end2:
_tile_overlayer_lowered:
.L_overlay_start_2:
0xc6: {  	(tag) =	ssettag $0x2  }
0xc7: {  	s0 =	rddreg [dreg:$0x0];
	s2 =	stileid.u32  }
0xc8: {  	s1 =	rddreg [dreg:$0x1];
	p0 =	sne.s32 s2, $0x0  }
0xc9: {  	s3 =	rddreg [dreg:$0x2];
	[bflag:$0x3] =	sbarrier.arrive $0xFFFF;
	s2 =	simm.s32 @!p0 $0x1C03  }
0xca: {  	[timem:s3], [sflag:s2] =	dma.local @!p0 [hbm:s0], s1  }
0xcb: {  	s0 =	simm.s32 @!p0 $0x3  }
0xcc: {  	_ =	swait.ge @!p0 [sflag:s0], s1  }
0xcd: {  	s1 =	ssub.s32 @!p0 $0x0, s1;
	[sflag:s0] =	ssyncset.done @!p0 $0x0  }
0xce: {  	[sflag:s0] =	ssyncadd.s32 @!p0 s1  }
0xcf: {  	[bflag:$0x3] =	sbarrier.arrive $0xFFFF  }
0xd0: {  	_ =	shalt  }

</sc_bundles>
